<compile_context>
chip_gen: v7x
topology: tpu7x:2x2x1
jax: 0.10.2.dev20260603
libtpu: 0.0.44.dev20260713+nightly
codegen_flags: <defaults>
</compile_context>

<pallas_src>
import functools
import jax
import jax.numpy as jnp
from jax.experimental import pallas as pl
from jax.experimental.pallas import tpu as pltpu

NQH = 32
NKVH = 8
HS = 128
BLK = 16
X = 8
NUM_BLKS = 2048
MAXB = 128
NSEQ = 16
SCALE = 0.08838834764831845
QPK = NQH // NKVH
NEG = -1e30
PG = 8
GCOLS = PG * BLK
NG = MAXB // PG


def _attn_kernel(blk_tbl_ref, seq_lens_ref, *refs):
    q_ref = refs[0]
    k_refs = refs[1:1 + PG]
    v_refs = refs[1 + PG:1 + 2 * PG]
    maskx_ref, rred_ref, wones_ref, slope_ref = refs[1 + 2 * PG:5 + 2 * PG]
    out_ref, m_scr, l_scr, acc_scr = refs[5 + 2 * PG:]

    g = pl.program_id(1)
    seq_len = seq_lens_ref[pl.program_id(0)]
    num_valid = (seq_len + BLK - 1) // BLK

    @pl.when(g == 0)
    def _init():
        m_scr[...] = jnp.full_like(m_scr, NEG)
        l_scr[...] = jnp.zeros_like(l_scr)
        acc_scr[...] = jnp.zeros_like(acc_scr)

    @pl.when(g * PG < num_valid)
    def _compute():
        qb = q_ref[0]
        kcat = jnp.concatenate([k[0] for k in k_refs], axis=2)
        z = jax.lax.dot_general(
            qb, kcat, (((2,), (1,)), ((0,), (0,))),
            preferred_element_type=jnp.float32)
        zm = z * maskx_ref[...][None]
        zr = jax.lax.dot_general(
            jnp.broadcast_to(rred_ref[...], (NKVH, QPK, QPK * X)), zm,
            (((2,), (1,)), ((0,), (0,))),
            preferred_element_type=jnp.float32)
        s_mat = jax.lax.dot_general(
            zr, wones_ref[...], (((2,), (0,)), ((), ())),
            preferred_element_type=jnp.float32)

        col = jax.lax.broadcasted_iota(jnp.int32, (NKVH, QPK, GCOLS), 2)
        glob_t = g * GCOLS + col
        rel = (glob_t - (seq_len - 1)).astype(jnp.float32)
        s_mat = s_mat + slope_ref[...] * rel
        valid = glob_t < seq_len
        s_mat = jnp.where(valid, s_mat, NEG)

        m_prev = m_scr[...]
        m_cur = jnp.max(s_mat, axis=2, keepdims=True)
        m_new = jnp.maximum(m_prev, m_cur)
        alpha = jnp.exp(m_prev - m_new)
        p = jnp.exp(s_mat - m_new) * valid.astype(jnp.float32)
        l_scr[...] = l_scr[...] * alpha + jnp.sum(p, axis=2, keepdims=True)
        vcat = jnp.concatenate([v[0] for v in v_refs], axis=2)
        pv = jax.lax.dot_general(
            p, vcat, (((2,), (2,)), ((0,), (0,))),
            preferred_element_type=jnp.float32)
        acc_scr[...] = acc_scr[...] * alpha + pv
        m_scr[...] = m_new

    @pl.when(g == NG - 1)
    def _finish():
        l = l_scr[...]
        out = acc_scr[...] / (l + 1e-10)
        out_ref[0] = jnp.where(l > 0, out, 0.0)


def _kv_map(i, s, g, blk_tbl, seq_lens):
    return (blk_tbl[s, g * PG + i], 0, 0, 0)


def kernel(query_ptr, key_cache_ptr, value_cache_ptr, block_tables_ptr,
           seq_lens_ptr, alibi_slopes_ptr, query_start_len_ptr):
    kr = key_cache_ptr.reshape(NUM_BLKS, NKVH, HS // X, BLK * X)
    seq_lens = seq_lens_ptr.astype(jnp.int32)
    nv = (seq_lens + BLK - 1) // BLK
    bidx = jnp.minimum(jnp.arange(MAXB, dtype=jnp.int32)[None, :],
                       jnp.maximum(nv - 1, 0)[:, None])
    blk_tbl = jnp.take_along_axis(
        block_tables_ptr.astype(jnp.int32), bidx, axis=1)

    qs = (query_ptr.astype(jnp.float32) * SCALE).reshape(
        NSEQ, NKVH, QPK, HS // X, X)
    qbe = jnp.transpose(qs, (0, 1, 2, 4, 3)).reshape(
        NSEQ, NKVH, QPK * X, HS // X)

    r_i = jnp.arange(QPK * X)[:, None]
    c_i = jnp.arange(PG * BLK * X)[None, :]
    maskx = ((r_i % X) == (c_i % X)).astype(jnp.float32)
    rred = (jnp.arange(QPK)[:, None] == (r_i.T // X)).astype(jnp.float32)
    cc = jnp.arange(PG * BLK * X)[:, None]
    oo = jnp.arange(GCOLS)[None, :]
    wones = ((cc // X) == oo).astype(jnp.float32)
    slope_mat = jnp.broadcast_to(
        alibi_slopes_ptr.astype(jnp.float32).reshape(NKVH, QPK, 1),
        (NKVH, QPK, GCOLS))

    kv_specs = [
        pl.BlockSpec((1, NKVH, HS // X, BLK * X), functools.partial(_kv_map, i))
        for i in range(PG)
    ] + [
        pl.BlockSpec((1, NKVH, HS, BLK), functools.partial(_kv_map, i))
        for i in range(PG)
    ]

    grid_spec = pltpu.PrefetchScalarGridSpec(
        num_scalar_prefetch=2,
        grid=(NSEQ, NG),
        in_specs=[
            pl.BlockSpec((1, NKVH, QPK * X, HS // X),
                         lambda s, g, t, l: (s, 0, 0, 0)),
        ] + kv_specs + [
            pl.BlockSpec((QPK * X, PG * BLK * X), lambda s, g, t, l: (0, 0)),
            pl.BlockSpec((QPK, QPK * X), lambda s, g, t, l: (0, 0)),
            pl.BlockSpec((PG * BLK * X, GCOLS), lambda s, g, t, l: (0, 0)),
            pl.BlockSpec((NKVH, QPK, GCOLS), lambda s, g, t, l: (0, 0, 0)),
        ],
        out_specs=pl.BlockSpec((1, NKVH, QPK, HS),
                               lambda s, g, t, l: (s, 0, 0, 0)),
        scratch_shapes=[
            pltpu.VMEM((NKVH, QPK, GCOLS), jnp.float32),
            pltpu.VMEM((NKVH, QPK, GCOLS), jnp.float32),
            pltpu.VMEM((NKVH, QPK, HS), jnp.float32),
        ],
    )
    out = pl.pallas_call(
        _attn_kernel,
        grid_spec=grid_spec,
        out_shape=jax.ShapeDtypeStruct((NSEQ, NKVH, QPK, HS), jnp.float32),
        compiler_params=pltpu.CompilerParams(
            dimension_semantics=("arbitrary", "arbitrary")),
    )(blk_tbl, seq_lens, qbe, *([kr] * PG), *([value_cache_ptr] * PG),
      maskx, rred, wones, slope_mat)
    return out.reshape(NSEQ, NQH, HS)

# --- scband reference (transcript-rebuilt; emitter-appended) ---
"""Pipeline reference for scband-model-3470333575384 (READ-ONLY COPY).

The authoritative reference and input builder live on the scoring server;
editing this copy changes nothing except your own understanding.
"""

import jax, jax.numpy as jnp
import numpy as np

NQH = 32
NKVH = 8
HS = 128
BLK = 16
X = 8
NUM_BLKS = 2048
MAXB = 128
NSEQ = 16
SCALE = 0.08838834764831845
QPK = NQH // NKVH


def setup_inputs(seed: int = 0) -> dict:
    key = jax.random.key(seed)
    k1, k2, k3, k4, k5, k6 = jax.random.split(key, 6)
    query_ptr = jax.random.normal(k1, (NSEQ, NQH, HS), dtype=jnp.float32)
    key_cache_ptr = jax.random.normal(k2, (NUM_BLKS, NKVH, HS // X, BLK, X), dtype=jnp.float32)
    value_cache_ptr = jax.random.normal(k3, (NUM_BLKS, NKVH, HS, BLK), dtype=jnp.float32)
    block_tables_ptr = jax.random.randint(k4, (NSEQ, MAXB), 0, NUM_BLKS)
    seq_lens_ptr = jax.random.randint(k5, (NSEQ,), 0, 2048)
    alibi_slopes_ptr = jax.random.uniform(k6, (NQH,), dtype=jnp.float32)
    query_start_len_ptr = jnp.arange(NSEQ + 1, dtype=jnp.int32)
    return {
        'query_ptr': query_ptr,
        'key_cache_ptr': key_cache_ptr,
        'value_cache_ptr': value_cache_ptr,
        'block_tables_ptr': block_tables_ptr,
        'seq_lens_ptr': seq_lens_ptr,
        'alibi_slopes_ptr': alibi_slopes_ptr,
        'query_start_len_ptr': query_start_len_ptr,
    }


def reference(query_ptr, key_cache_ptr, value_cache_ptr, block_tables_ptr, seq_lens_ptr, alibi_slopes_ptr, query_start_len_ptr):
    # de-swizzle key cache: [num_blks, H_kv, HS//x, blk, x] -> [num_blks, H_kv, blk, HS]
    kcache = jnp.transpose(key_cache_ptr, (0, 1, 3, 2, 4)).reshape(NUM_BLKS, NKVH, BLK, HS)
    # value cache: [num_blks, H_kv, HS, blk] -> [num_blks, H_kv, blk, HS]
    vcache = jnp.transpose(value_cache_ptr, (0, 1, 3, 2))
    t = jnp.arange(MAXB * BLK)

    def per_seq(seq_idx):
        blocks = block_tables_ptr[seq_idx]  # [MAXB]
        Kseq = jnp.transpose(kcache[blocks], (1, 0, 2, 3)).reshape(NKVH, MAXB * BLK, HS).astype(jnp.float32)
        Vseq = jnp.transpose(vcache[blocks], (1, 0, 2, 3)).reshape(NKVH, MAXB * BLK, HS).astype(jnp.float32)
        seq_len = seq_lens_ptr[seq_idx]
        q_start = query_start_len_ptr[seq_idx]
        Q = query_ptr[q_start].astype(jnp.float32).reshape(NKVH, QPK, HS)
        scores = SCALE * jnp.einsum('hqd,hkd->hqk', Q, Kseq)
        slopes = alibi_slopes_ptr.reshape(NKVH, QPK)
        rel = (t[None, None, :] - (seq_len - 1)).astype(jnp.float32)
        scores = scores + slopes[:, :, None] * rel
        mask = t < seq_len
        scores = jnp.where(mask[None, None, :], scores, -1e30)
        m = jnp.max(scores, axis=-1, keepdims=True)
        p = jnp.exp(scores - m) * mask[None, None, :].astype(jnp.float32)
        L = jnp.sum(p, axis=-1)
        acc = jnp.einsum('hqk,hkd->hqd', p, Vseq)
        out = acc / (L[..., None] + 1e-10)
        out = jnp.where(L[..., None] > 0, out, 0.0)
        return out.reshape(NQH, HS)

    outs = jax.vmap(per_seq)(jnp.arange(NSEQ))
    output = jnp.zeros_like(query_ptr)
    output = output.at[query_start_len_ptr[:NSEQ]].set(outs.astype(query_ptr.dtype))
    return output

if __name__ == "__main__":
    import jax
    _d = setup_inputs()
    print(jax.jit(kernel)(*tuple(_d.values())))

</pallas_src>

<mosaic_0001>
module attributes {stable_mosaic.version = 14 : i64} {
  func.func @_attn_kernel(%arg0: i32, %arg1: i32, %arg2: memref<16x128xi32, #tpu.memory_space<smem>>, %arg3: memref<16xi32, #tpu.memory_space<smem>>, %arg4: memref<1x8x32x16xf32, #tpu.memory_space<vmem>>, %arg5: memref<1x8x16x128xf32, #tpu.memory_space<vmem>>, %arg6: memref<1x8x16x128xf32, #tpu.memory_space<vmem>>, %arg7: memref<1x8x16x128xf32, #tpu.memory_space<vmem>>, %arg8: memref<1x8x16x128xf32, #tpu.memory_space<vmem>>, %arg9: memref<1x8x16x128xf32, #tpu.memory_space<vmem>>, %arg10: memref<1x8x16x128xf32, #tpu.memory_space<vmem>>, %arg11: memref<1x8x16x128xf32, #tpu.memory_space<vmem>>, %arg12: memref<1x8x16x128xf32, #tpu.memory_space<vmem>>, %arg13: memref<1x8x128x16xf32, #tpu.memory_space<vmem>>, %arg14: memref<1x8x128x16xf32, #tpu.memory_space<vmem>>, %arg15: memref<1x8x128x16xf32, #tpu.memory_space<vmem>>, %arg16: memref<1x8x128x16xf32, #tpu.memory_space<vmem>>, %arg17: memref<1x8x128x16xf32, #tpu.memory_space<vmem>>, %arg18: memref<1x8x128x16xf32, #tpu.memory_space<vmem>>, %arg19: memref<1x8x128x16xf32, #tpu.memory_space<vmem>>, %arg20: memref<1x8x128x16xf32, #tpu.memory_space<vmem>>, %arg21: memref<32x1024xf32, #tpu.memory_space<vmem>>, %arg22: memref<4x32xf32, #tpu.memory_space<vmem>>, %arg23: memref<1024x128xf32, #tpu.memory_space<vmem>>, %arg24: memref<8x4x128xf32, #tpu.memory_space<vmem>>, %arg25: memref<1x8x4x128xf32, #tpu.memory_space<vmem>>, %arg26: memref<8x4x128xf32, #tpu.memory_space<vmem>>, %arg27: memref<8x4x128xf32, #tpu.memory_space<vmem>>, %arg28: memref<8x4x128xf32, #tpu.memory_space<vmem>>) attributes {dimension_semantics = [#tpu.dimension_semantics<arbitrary>, #tpu.dimension_semantics<arbitrary>], iteration_bounds = array<i64: 16, 16>, scalar_prefetch = 2 : i64, scratch_operands = 3 : i64, tpu.core_type = #tpu.core_type<tc>, window_params = [{transform_indices = @transform_0, window_bounds = array<i64: 1, 8, 32, 16>}, {transform_indices = @transform_1, window_bounds = array<i64: 1, 8, 16, 128>}, {transform_indices = @transform_2, window_bounds = array<i64: 1, 8, 16, 128>}, {transform_indices = @transform_3, window_bounds = array<i64: 1, 8, 16, 128>}, {transform_indices = @transform_4, window_bounds = array<i64: 1, 8, 16, 128>}, {transform_indices = @transform_5, window_bounds = array<i64: 1, 8, 16, 128>}, {transform_indices = @transform_6, window_bounds = array<i64: 1, 8, 16, 128>}, {transform_indices = @transform_7, window_bounds = array<i64: 1, 8, 16, 128>}, {transform_indices = @transform_8, window_bounds = array<i64: 1, 8, 16, 128>}, {transform_indices = @transform_9, window_bounds = array<i64: 1, 8, 128, 16>}, {transform_indices = @transform_10, window_bounds = array<i64: 1, 8, 128, 16>}, {transform_indices = @transform_11, window_bounds = array<i64: 1, 8, 128, 16>}, {transform_indices = @transform_12, window_bounds = array<i64: 1, 8, 128, 16>}, {transform_indices = @transform_13, window_bounds = array<i64: 1, 8, 128, 16>}, {transform_indices = @transform_14, window_bounds = array<i64: 1, 8, 128, 16>}, {transform_indices = @transform_15, window_bounds = array<i64: 1, 8, 128, 16>}, {transform_indices = @transform_16, window_bounds = array<i64: 1, 8, 128, 16>}, {pipeline_mode = #tpu.pipeline_mode<synchronous>, transform_indices = @transform_17, window_bounds = array<i64: 32, 1024>}, {pipeline_mode = #tpu.pipeline_mode<synchronous>, transform_indices = @transform_18, window_bounds = array<i64: 4, 32>}, {pipeline_mode = #tpu.pipeline_mode<synchronous>, transform_indices = @transform_19, window_bounds = array<i64: 1024, 128>}, {pipeline_mode = #tpu.pipeline_mode<synchronous>, transform_indices = @transform_20, window_bounds = array<i64: 8, 4, 128>}, {transform_indices = @transform_21, window_bounds = array<i64: 1, 8, 4, 128>}]} {
    %get3A = arith.index_cast %arg0 : i32 to index
    %get3A_0 = memref.load %arg3[%get3A] : memref<16xi32, #tpu.memory_space<smem>>
    %add3A = arith.constant 16 : i32
    %add3A_1 = arith.addi %get3A_0, %add3A : i32
    %sub3A = arith.constant 1 : i32
    %sub3A_2 = arith.subi %add3A_1, %sub3A : i32
    %jit3A = arith.constant 16 : i32
    %div3A = arith.divsi %sub3A_2, %jit3A : i32
    %sign3A = arith.constant 0 : i32
    %sign3A_3 = arith.cmpi sgt, %sub3A_2, %sign3A : i32
    %sign3A_4 = arith.extui %sign3A_3 : i1 to i32
    %sign3A_5 = arith.constant 0 : i32
    %sign3A_6 = arith.cmpi slt, %sub3A_2, %sign3A_5 : i32
    %sign3A_7 = arith.extui %sign3A_6 : i1 to i32
    %sign3A_8 = arith.subi %sign3A_4, %sign3A_7 : i32
    %sign3A_9 = arith.constant 0 : i32
    %sign3A_10 = arith.cmpi sgt, %jit3A, %sign3A_9 : i32
    %sign3A_11 = arith.extui %sign3A_10 : i1 to i32
    %sign3A_12 = arith.constant 0 : i32
    %sign3A_13 = arith.cmpi slt, %jit3A, %sign3A_12 : i32
    %sign3A_14 = arith.extui %sign3A_13 : i1 to i32
    %sign3A_15 = arith.subi %sign3A_11, %sign3A_14 : i32
    %ne3A = arith.cmpi ne, %sign3A_8, %sign3A_15 : i32
    %rem3A = arith.remsi %sub3A_2, %jit3A : i32
    %ne3A_16 = arith.constant 0 : i32
    %ne3A_17 = arith.cmpi ne, %rem3A, %ne3A_16 : i32
    %and3A = arith.andi %ne3A, %ne3A_17 : i1
    %sub3A_18 = arith.constant 1 : i32
    %sub3A_19 = arith.subi %div3A, %sub3A_18 : i32
    %select_n3A = arith.select %and3A, %sub3A_19, %div3A : i32
    %eq3A = arith.constant 0 : i32
    %eq3A_20 = arith.cmpi eq, %arg1, %eq3A : i32
    %convert_element_type3A = arith.extui %eq3A_20 : i1 to i32
    %cond3A = arith.constant 0 : i32
    %cond3A_21 = arith.cmpi ne, %convert_element_type3A, %cond3A : i32
    scf.if %cond3A_21 {
      %broadcast_in_dim3A = arith.constant -1.000000e+30 : f32
      %broadcast_in_dim3A_31 = vector.broadcast %broadcast_in_dim3A : f32 to vector<8x4x128xf32>
      %swap3A = arith.constant 0 : index
      %swap3A_32 = arith.constant 0 : index
      %swap3A_33 = arith.constant 0 : index
      %swap3A_34 = vector.load %arg26[%swap3A, %swap3A_32, %swap3A_33] : memref<8x4x128xf32, #tpu.memory_space<vmem>>, vector<8x4x128xf32>
      tpu.vector_store %arg26[%swap3A, %swap3A_32, %swap3A_33], %broadcast_in_dim3A_31 {strides = array<i32>} : memref<8x4x128xf32, #tpu.memory_space<vmem>>, vector<8x4x128xf32>,
      %broadcast_in_dim3A_35 = arith.constant 0.000000e+00 : f32
      %broadcast_in_dim3A_36 = vector.broadcast %broadcast_in_dim3A_35 : f32 to vector<8x4x128xf32>
      %swap3A_37 = arith.constant 0 : index
      %swap3A_38 = arith.constant 0 : index
      %swap3A_39 = arith.constant 0 : index
      %swap3A_40 = vector.load %arg27[%swap3A_37, %swap3A_38, %swap3A_39] : memref<8x4x128xf32, #tpu.memory_space<vmem>>, vector<8x4x128xf32>
      tpu.vector_store %arg27[%swap3A_37, %swap3A_38, %swap3A_39], %broadcast_in_dim3A_36 {strides = array<i32>} : memref<8x4x128xf32, #tpu.memory_space<vmem>>, vector<8x4x128xf32>,
      %broadcast_in_dim3A_41 = arith.constant 0.000000e+00 : f32
      %broadcast_in_dim3A_42 = vector.broadcast %broadcast_in_dim3A_41 : f32 to vector<8x4x128xf32>
      %swap3A_43 = arith.constant 0 : index
      %swap3A_44 = arith.constant 0 : index
      %swap3A_45 = arith.constant 0 : index
      %swap3A_46 = vector.load %arg28[%swap3A_43, %swap3A_44, %swap3A_45] : memref<8x4x128xf32, #tpu.memory_space<vmem>>, vector<8x4x128xf32>
      tpu.vector_store %arg28[%swap3A_43, %swap3A_44, %swap3A_45], %broadcast_in_dim3A_42 {strides = array<i32>} : memref<8x4x128xf32, #tpu.memory_space<vmem>>, vector<8x4x128xf32>,
    } else {
    }
    %mul3A = arith.constant 8 : i32
    %mul3A_22 = arith.muli %arg1, %mul3A : i32
    %lt3A = arith.cmpi slt, %mul3A_22, %select_n3A : i32
    %convert_element_type3A_23 = arith.extui %lt3A : i1 to i32
    %cond3A_24 = arith.constant 0 : i32
    %cond3A_25 = arith.cmpi ne, %convert_element_type3A_23, %cond3A_24 : i32
    scf.if %cond3A_25 {
      %get3A_31 = arith.constant 0 : index
      %get3A_32 = arith.constant 0 : index
      %get3A_33 = arith.constant 0 : index
      %get3A_34 = arith.constant 0 : index
      %get3A_35 = vector.load %arg4[%get3A_31, %get3A_32, %get3A_33, %get3A_34] : memref<1x8x32x16xf32, #tpu.memory_space<vmem>>, vector<1x8x32x16xf32>
      %get3A_36 = vector.shape_cast %get3A_35 : vector<1x8x32x16xf32> to vector<8x32x16xf32>
      %get3A_37 = arith.constant 0 : index
      %get3A_38 = arith.constant 0 : index
      %get3A_39 = arith.constant 0 : index
      %get3A_40 = arith.constant 0 : index
      %get3A_41 = vector.load %arg5[%get3A_37, %get3A_38, %get3A_39, %get3A_40] : memref<1x8x16x128xf32, #tpu.memory_space<vmem>>, vector<1x8x16x128xf32>
      %get3A_42 = vector.shape_cast %get3A_41 : vector<1x8x16x128xf32> to vector<8x16x128xf32>
      %get3A_43 = arith.constant 0 : index
      %get3A_44 = arith.constant 0 : index
      %get3A_45 = arith.constant 0 : index
      %get3A_46 = arith.constant 0 : index
      %get3A_47 = vector.load %arg6[%get3A_43, %get3A_44, %get3A_45, %get3A_46] : memref<1x8x16x128xf32, #tpu.memory_space<vmem>>, vector<1x8x16x128xf32>
      %get3A_48 = vector.shape_cast %get3A_47 : vector<1x8x16x128xf32> to vector<8x16x128xf32>
      %get3A_49 = arith.constant 0 : index
      %get3A_50 = arith.constant 0 : index
      %get3A_51 = arith.constant 0 : index
      %get3A_52 = arith.constant 0 : index
      %get3A_53 = vector.load %arg7[%get3A_49, %get3A_50, %get3A_51, %get3A_52] : memref<1x8x16x128xf32, #tpu.memory_space<vmem>>, vector<1x8x16x128xf32>
      %get3A_54 = vector.shape_cast %get3A_53 : vector<1x8x16x128xf32> to vector<8x16x128xf32>
      %get3A_55 = arith.constant 0 : index
      %get3A_56 = arith.constant 0 : index
      %get3A_57 = arith.constant 0 : index
      %get3A_58 = arith.constant 0 : index
      %get3A_59 = vector.load %arg8[%get3A_55, %get3A_56, %get3A_57, %get3A_58] : memref<1x8x16x128xf32, #tpu.memory_space<vmem>>, vector<1x8x16x128xf32>
      %get3A_60 = vector.shape_cast %get3A_59 : vector<1x8x16x128xf32> to vector<8x16x128xf32>
      %get3A_61 = arith.constant 0 : index
      %get3A_62 = arith.constant 0 : index
      %get3A_63 = arith.constant 0 : index
      %get3A_64 = arith.constant 0 : index
      %get3A_65 = vector.load %arg9[%get3A_61, %get3A_62, %get3A_63, %get3A_64] : memref<1x8x16x128xf32, #tpu.memory_space<vmem>>, vector<1x8x16x128xf32>
      %get3A_66 = vector.shape_cast %get3A_65 : vector<1x8x16x128xf32> to vector<8x16x128xf32>
      %get3A_67 = arith.constant 0 : index
      %get3A_68 = arith.constant 0 : index
      %get3A_69 = arith.constant 0 : index
      %get3A_70 = arith.constant 0 : index
      %get3A_71 = vector.load %arg10[%get3A_67, %get3A_68, %get3A_69, %get3A_70] : memref<1x8x16x128xf32, #tpu.memory_space<vmem>>, vector<1x8x16x128xf32>
      %get3A_72 = vector.shape_cast %get3A_71 : vector<1x8x16x128xf32> to vector<8x16x128xf32>
      %get3A_73 = arith.constant 0 : index
      %get3A_74 = arith.constant 0 : index
      %get3A_75 = arith.constant 0 : index
      %get3A_76 = arith.constant 0 : index
      %get3A_77 = vector.load %arg11[%get3A_73, %get3A_74, %get3A_75, %get3A_76] : memref<1x8x16x128xf32, #tpu.memory_space<vmem>>, vector<1x8x16x128xf32>
      %get3A_78 = vector.shape_cast %get3A_77 : vector<1x8x16x128xf32> to vector<8x16x128xf32>
      %get3A_79 = arith.constant 0 : index
      %get3A_80 = arith.constant 0 : index
      %get3A_81 = arith.constant 0 : index
      %get3A_82 = arith.constant 0 : index
      %get3A_83 = vector.load %arg12[%get3A_79, %get3A_80, %get3A_81, %get3A_82] : memref<1x8x16x128xf32, #tpu.memory_space<vmem>>, vector<1x8x16x128xf32>
      %get3A_84 = vector.shape_cast %get3A_83 : vector<1x8x16x128xf32> to vector<8x16x128xf32>
      %concatenate3A = tpu.concatenate %get3A_42, %get3A_48, %get3A_54, %get3A_60, %get3A_66, %get3A_72, %get3A_78, %get3A_84 in 2 : vector<8x16x128xf32>, vector<8x16x128xf32>, vector<8x16x128xf32>, vector<8x16x128xf32>, vector<8x16x128xf32>, vector<8x16x128xf32>, vector<8x16x128xf32>, vector<8x16x128xf32> -> vector<8x16x1024xf32>
      %dot_general3A = arith.constant dense<0.000000e+00> : vector<8x32x1024xf32>
      %dot_general3A_85 = tpu.matmul %get3A_36, %concatenate3A, %dot_general3A {dimension_numbers = #tpu.dot_dimension_numbers<[2], [1], [1], [2], [0, 0, 0, 1, 1, 2], [0], [0]>, transpose_lhs_hint = false} : vector<8x32x16xf32>, vector<8x16x1024xf32>, vector<8x32x1024xf32> -> vector<8x32x1024xf32>
      %get3A_86 = arith.constant 0 : index
      %get3A_87 = arith.constant 0 : index
      %get3A_88 = vector.load %arg21[%get3A_86, %get3A_87] : memref<32x1024xf32, #tpu.memory_space<vmem>>, vector<32x1024xf32>
      %broadcast_in_dim3A = vector.shape_cast %get3A_88 : vector<32x1024xf32> to vector<1x32x1024xf32>
      %mul3A_89 = vector.broadcast %broadcast_in_dim3A : vector<1x32x1024xf32> to vector<8x32x1024xf32>
      %mul3A_90 = arith.mulf %dot_general3A_85, %mul3A_89 : vector<8x32x1024xf32>
      %get3A_91 = arith.constant 0 : index
      %get3A_92 = arith.constant 0 : index
      %get3A_93 = vector.load %arg22[%get3A_91, %get3A_92] : memref<4x32xf32, #tpu.memory_space<vmem>>, vector<4x32xf32>
      %broadcast_in_dim3A_94 = vector.shape_cast %get3A_93 : vector<4x32xf32> to vector<1x4x32xf32>
      %broadcast_in_dim3A_95 = vector.broadcast %broadcast_in_dim3A_94 : vector<1x4x32xf32> to vector<8x4x32xf32>
      %dot_general3A_96 = arith.constant dense<0.000000e+00> : vector<8x4x1024xf32>
      %dot_general3A_97 = tpu.matmul %broadcast_in_dim3A_95, %mul3A_90, %dot_general3A_96 {dimension_numbers = #tpu.dot_dimension_numbers<[2], [1], [1], [2], [0, 0, 0, 1, 1, 2], [0], [0]>, transpose_lhs_hint = false} : vector<8x4x32xf32>, vector<8x32x1024xf32>, vector<8x4x1024xf32> -> vector<8x4x1024xf32>
      %get3A_98 = arith.constant 0 : index
      %get3A_99 = arith.constant 0 : index
      %get3A_100 = vector.load %arg23[%get3A_98, %get3A_99] : memref<1024x128xf32, #tpu.memory_space<vmem>>, vector<1024x128xf32>
      %dot_general3A_101 = arith.constant dense<0.000000e+00> : vector<8x4x128xf32>
      %dot_general3A_102 = tpu.matmul %dot_general3A_97, %get3A_100, %dot_general3A_101 {dimension_numbers = #tpu.dot_dimension_numbers<[2], [0], [0, 1], [1], [0, 0, 0, 1, 1, 1], [], []>, transpose_lhs_hint = false} : vector<8x4x1024xf32>, vector<1024x128xf32>, vector<8x4x128xf32> -> vector<8x4x128xf32>
      %iota3A = tpu.iota {dimensions = array<i32: 2>} : vector<8x4x128xi32>
      %mul3A_103 = arith.constant 128 : i32
      %mul3A_104 = arith.muli %arg1, %mul3A_103 : i32
      %add3A_105 = vector.broadcast %mul3A_104 : i32 to vector<8x4x128xi32>
      %add3A_106 = arith.addi %add3A_105, %iota3A : vector<8x4x128xi32>
      %sub3A_107 = arith.constant 1 : i32
      %sub3A_108 = arith.subi %get3A_0, %sub3A_107 : i32
      %sub3A_109 = vector.broadcast %sub3A_108 : i32 to vector<8x4x128xi32>
      %sub3A_110 = arith.subi %add3A_106, %sub3A_109 : vector<8x4x128xi32>
      %convert_element_type3A_111 = arith.sitofp %sub3A_110 : vector<8x4x128xi32> to vector<8x4x128xf32>
      %get3A_112 = arith.constant 0 : index
      %get3A_113 = arith.constant 0 : index
      %get3A_114 = arith.constant 0 : index
      %get3A_115 = vector.load %arg24[%get3A_112, %get3A_113, %get3A_114] : memref<8x4x128xf32, #tpu.memory_space<vmem>>, vector<8x4x128xf32>
      %mul3A_116 = arith.mulf %get3A_115, %convert_element_type3A_111 : vector<8x4x128xf32>
      %add3A_117 = arith.addf %dot_general3A_102, %mul3A_116 : vector<8x4x128xf32>
      %lt3A_118 = vector.broadcast %get3A_0 : i32 to vector<8x4x128xi32>
      %lt3A_119 = arith.cmpi slt, %add3A_106, %lt3A_118 : vector<8x4x128xi32>
      %jit3A_120 = arith.constant -1.000000e+30 : f32
      %broadcast_in_dim3A_121 = vector.broadcast %jit3A_120 : f32 to vector<8x4x128xf32>
      %select_n3A_122 = arith.select %lt3A_119, %add3A_117, %broadcast_in_dim3A_121 : vector<8x4x128xi1>, vector<8x4x128xf32>
      %get3A_123 = arith.constant 0 : index
      %get3A_124 = arith.constant 0 : index
      %get3A_125 = arith.constant 0 : index
      %get3A_126 = vector.load %arg26[%get3A_123, %get3A_124, %get3A_125] : memref<8x4x128xf32, #tpu.memory_space<vmem>>, vector<8x4x128xf32>
      %reduce_max3A = arith.constant dense<0xFF800000> : vector<8x4xf32>
      %reduce_max3A_127 = vector.multi_reduction <maximumf>, %select_n3A_122, %reduce_max3A [2] : vector<8x4x128xf32> to vector<8x4xf32>
      %broadcast_in_dim3A_128 = vector.shape_cast %reduce_max3A_127 : vector<8x4xf32> to vector<8x4x1xf32>
      %max3A = vector.broadcast %broadcast_in_dim3A_128 : vector<8x4x1xf32> to vector<8x4x128xf32>
      %max3A_129 = arith.maximumf %get3A_126, %max3A : vector<8x4x128xf32>
      %sub3A_130 = arith.subf %get3A_126, %max3A_129 : vector<8x4x128xf32>
      %exp3A = math.exp %sub3A_130 : vector<8x4x128xf32>
      %sub3A_131 = arith.subf %select_n3A_122, %max3A_129 : vector<8x4x128xf32>
      %exp3A_132 = math.exp %sub3A_131 : vector<8x4x128xf32>
      %convert_element_type3A_133 = arith.extui %lt3A_119 : vector<8x4x128xi1> to vector<8x4x128xi32>
      %convert_element_type3A_134 = arith.sitofp %convert_element_type3A_133 : vector<8x4x128xi32> to vector<8x4x128xf32>
      %mul3A_135 = arith.mulf %exp3A_132, %convert_element_type3A_134 : vector<8x4x128xf32>
      %get3A_136 = arith.constant 0 : index
      %get3A_137 = arith.constant 0 : index
      %get3A_138 = arith.constant 0 : index
      %get3A_139 = vector.load %arg27[%get3A_136, %get3A_137, %get3A_138] : memref<8x4x128xf32, #tpu.memory_space<vmem>>, vector<8x4x128xf32>
      %mul3A_140 = arith.mulf %get3A_139, %exp3A : vector<8x4x128xf32>
      %reduce_sum3A = arith.constant dense<0.000000e+00> : vector<8x4xf32>
      %reduce_sum3A_141 = vector.multi_reduction <add>, %mul3A_135, %reduce_sum3A [2] : vector<8x4x128xf32> to vector<8x4xf32>
      %broadcast_in_dim3A_142 = vector.shape_cast %reduce_sum3A_141 : vector<8x4xf32> to vector<8x4x1xf32>
      %add3A_143 = vector.broadcast %broadcast_in_dim3A_142 : vector<8x4x1xf32> to vector<8x4x128xf32>
      %add3A_144 = arith.addf %mul3A_140, %add3A_143 : vector<8x4x128xf32>
      %swap3A = arith.constant 0 : index
      %swap3A_145 = arith.constant 0 : index
      %swap3A_146 = arith.constant 0 : index
      %swap3A_147 = vector.load %arg27[%swap3A, %swap3A_145, %swap3A_146] : memref<8x4x128xf32, #tpu.memory_space<vmem>>, vector<8x4x128xf32>
      tpu.vector_store %arg27[%swap3A, %swap3A_145, %swap3A_146], %add3A_144 {strides = array<i32>} : memref<8x4x128xf32, #tpu.memory_space<vmem>>, vector<8x4x128xf32>,
      %get3A_148 = arith.constant 0 : index
      %get3A_149 = arith.constant 0 : index
      %get3A_150 = arith.constant 0 : index
      %get3A_151 = arith.constant 0 : index
      %get3A_152 = vector.load %arg13[%get3A_148, %get3A_149, %get3A_150, %get3A_151] : memref<1x8x128x16xf32, #tpu.memory_space<vmem>>, vector<1x8x128x16xf32>
      %get3A_153 = vector.shape_cast %get3A_152 : vector<1x8x128x16xf32> to vector<8x128x16xf32>
      %get3A_154 = arith.constant 0 : index
      %get3A_155 = arith.constant 0 : index
      %get3A_156 = arith.constant 0 : index
      %get3A_157 = arith.constant 0 : index
      %get3A_158 = vector.load %arg14[%get3A_154, %get3A_155, %get3A_156, %get3A_157] : memref<1x8x128x16xf32, #tpu.memory_space<vmem>>, vector<1x8x128x16xf32>
      %get3A_159 = vector.shape_cast %get3A_158 : vector<1x8x128x16xf32> to vector<8x128x16xf32>
      %get3A_160 = arith.constant 0 : index
      %get3A_161 = arith.constant 0 : index
      %get3A_162 = arith.constant 0 : index
      %get3A_163 = arith.constant 0 : index
      %get3A_164 = vector.load %arg15[%get3A_160, %get3A_161, %get3A_162, %get3A_163] : memref<1x8x128x16xf32, #tpu.memory_space<vmem>>, vector<1x8x128x16xf32>
      %get3A_165 = vector.shape_cast %get3A_164 : vector<1x8x128x16xf32> to vector<8x128x16xf32>
      %get3A_166 = arith.constant 0 : index
      %get3A_167 = arith.constant 0 : index
      %get3A_168 = arith.constant 0 : index
      %get3A_169 = arith.constant 0 : index
      %get3A_170 = vector.load %arg16[%get3A_166, %get3A_167, %get3A_168, %get3A_169] : memref<1x8x128x16xf32, #tpu.memory_space<vmem>>, vector<1x8x128x16xf32>
      %get3A_171 = vector.shape_cast %get3A_170 : vector<1x8x128x16xf32> to vector<8x128x16xf32>
      %get3A_172 = arith.constant 0 : index
      %get3A_173 = arith.constant 0 : index
      %get3A_174 = arith.constant 0 : index
      %get3A_175 = arith.constant 0 : index
      %get3A_176 = vector.load %arg17[%get3A_172, %get3A_173, %get3A_174, %get3A_175] : memref<1x8x128x16xf32, #tpu.memory_space<vmem>>, vector<1x8x128x16xf32>
      %get3A_177 = vector.shape_cast %get3A_176 : vector<1x8x128x16xf32> to vector<8x128x16xf32>
      %get3A_178 = arith.constant 0 : index
      %get3A_179 = arith.constant 0 : index
      %get3A_180 = arith.constant 0 : index
      %get3A_181 = arith.constant 0 : index
      %get3A_182 = vector.load %arg18[%get3A_178, %get3A_179, %get3A_180, %get3A_181] : memref<1x8x128x16xf32, #tpu.memory_space<vmem>>, vector<1x8x128x16xf32>
      %get3A_183 = vector.shape_cast %get3A_182 : vector<1x8x128x16xf32> to vector<8x128x16xf32>
      %get3A_184 = arith.constant 0 : index
      %get3A_185 = arith.constant 0 : index
      %get3A_186 = arith.constant 0 : index
      %get3A_187 = arith.constant 0 : index
      %get3A_188 = vector.load %arg19[%get3A_184, %get3A_185, %get3A_186, %get3A_187] : memref<1x8x128x16xf32, #tpu.memory_space<vmem>>, vector<1x8x128x16xf32>
      %get3A_189 = vector.shape_cast %get3A_188 : vector<1x8x128x16xf32> to vector<8x128x16xf32>
      %get3A_190 = arith.constant 0 : index
      %get3A_191 = arith.constant 0 : index
      %get3A_192 = arith.constant 0 : index
      %get3A_193 = arith.constant 0 : index
      %get3A_194 = vector.load %arg20[%get3A_190, %get3A_191, %get3A_192, %get3A_193] : memref<1x8x128x16xf32, #tpu.memory_space<vmem>>, vector<1x8x128x16xf32>
      %get3A_195 = vector.shape_cast %get3A_194 : vector<1x8x128x16xf32> to vector<8x128x16xf32>
      %concatenate3A_196 = tpu.concatenate %get3A_153, %get3A_159, %get3A_165, %get3A_171, %get3A_177, %get3A_183, %get3A_189, %get3A_195 in 2 : vector<8x128x16xf32>, vector<8x128x16xf32>, vector<8x128x16xf32>, vector<8x128x16xf32>, vector<8x128x16xf32>, vector<8x128x16xf32>, vector<8x128x16xf32>, vector<8x128x16xf32> -> vector<8x128x128xf32>
      %dot_general3A_197 = arith.constant dense<0.000000e+00> : vector<8x4x128xf32>
      %dot_general3A_198 = tpu.matmul %mul3A_135, %concatenate3A_196, %dot_general3A_197 {dimension_numbers = #tpu.dot_dimension_numbers<[2], [2], [1], [1], [0, 0, 0, 1, 1, 1], [0], [0]>, transpose_lhs_hint = false} : vector<8x4x128xf32>, vector<8x128x128xf32>, vector<8x4x128xf32> -> vector<8x4x128xf32>
      %get3A_199 = arith.constant 0 : index
      %get3A_200 = arith.constant 0 : index
      %get3A_201 = arith.constant 0 : index
      %get3A_202 = vector.load %arg28[%get3A_199, %get3A_200, %get3A_201] : memref<8x4x128xf32, #tpu.memory_space<vmem>>, vector<8x4x128xf32>
      %mul3A_203 = arith.mulf %get3A_202, %exp3A : vector<8x4x128xf32>
      %add3A_204 = arith.addf %mul3A_203, %dot_general3A_198 : vector<8x4x128xf32>
      %swap3A_205 = arith.constant 0 : index
      %swap3A_206 = arith.constant 0 : index
      %swap3A_207 = arith.constant 0 : index
      %swap3A_208 = vector.load %arg28[%swap3A_205, %swap3A_206, %swap3A_207] : memref<8x4x128xf32, #tpu.memory_space<vmem>>, vector<8x4x128xf32>
      tpu.vector_store %arg28[%swap3A_205, %swap3A_206, %swap3A_207], %add3A_204 {strides = array<i32>} : memref<8x4x128xf32, #tpu.memory_space<vmem>>, vector<8x4x128xf32>,
      %swap3A_209 = arith.constant 0 : index
      %swap3A_210 = arith.constant 0 : index
      %swap3A_211 = arith.constant 0 : index
      %swap3A_212 = vector.load %arg26[%swap3A_209, %swap3A_210, %swap3A_211] : memref<8x4x128xf32, #tpu.memory_space<vmem>>, vector<8x4x128xf32>
      tpu.vector_store %arg26[%swap3A_209, %swap3A_210, %swap3A_211], %max3A_129 {strides = array<i32>} : memref<8x4x128xf32, #tpu.memory_space<vmem>>, vector<8x4x128xf32>,
    } else {
    }
    %eq3A_26 = arith.constant 15 : i32
    %eq3A_27 = arith.cmpi eq, %arg1, %eq3A_26 : i32
    %convert_element_type3A_28 = arith.extui %eq3A_27 : i1 to i32
    %cond3A_29 = arith.constant 0 : i32
    %cond3A_30 = arith.cmpi ne, %convert_element_type3A_28, %cond3A_29 : i32
    scf.if %cond3A_30 {
      %get3A_31 = arith.constant 0 : index
      %get3A_32 = arith.constant 0 : index
      %get3A_33 = arith.constant 0 : index
      %get3A_34 = vector.load %arg27[%get3A_31, %get3A_32, %get3A_33] : memref<8x4x128xf32, #tpu.memory_space<vmem>>, vector<8x4x128xf32>
      %get3A_35 = arith.constant 0 : index
      %get3A_36 = arith.constant 0 : index
      %get3A_37 = arith.constant 0 : index
      %get3A_38 = vector.load %arg28[%get3A_35, %get3A_36, %get3A_37] : memref<8x4x128xf32, #tpu.memory_space<vmem>>, vector<8x4x128xf32>
      %add3A_39 = arith.constant 1.000000e-10 : f32
      %add3A_40 = vector.broadcast %add3A_39 : f32 to vector<8x4x128xf32>
      %add3A_41 = arith.addf %get3A_34, %add3A_40 : vector<8x4x128xf32>
      %div3A_42 = arith.divf %get3A_38, %add3A_41 : vector<8x4x128xf32>
      %gt3A = arith.constant 0.000000e+00 : f32
      %gt3A_43 = vector.broadcast %gt3A : f32 to vector<8x4x128xf32>
      %gt3A_44 = arith.cmpf ogt, %get3A_34, %gt3A_43 : vector<8x4x128xf32>
      %jit3A_45 = arith.constant 0.000000e+00 : f32
      %broadcast_in_dim3A = vector.broadcast %jit3A_45 : f32 to vector<8x4x128xf32>
      %select_n3A_46 = arith.select %gt3A_44, %div3A_42, %broadcast_in_dim3A : vector<8x4x128xi1>, vector<8x4x128xf32>
      %swap3A = arith.constant 0 : index
      %swap3A_47 = arith.constant 0 : index
      %swap3A_48 = arith.constant 0 : index
      %swap3A_49 = arith.constant 0 : index
      %swap3A_50 = vector.load %arg25[%swap3A, %swap3A_47, %swap3A_48, %swap3A_49] : memref<1x8x4x128xf32, #tpu.memory_space<vmem>>, vector<1x8x4x128xf32>
      %swap3A_51 = vector.shape_cast %swap3A_50 : vector<1x8x4x128xf32> to vector<8x4x128xf32>
      %swap3A_52 = vector.shape_cast %select_n3A_46 : vector<8x4x128xf32> to vector<1x8x4x128xf32>
      tpu.vector_store %arg25[%swap3A, %swap3A_47, %swap3A_48, %swap3A_49], %swap3A_52 {strides = array<i32>} : memref<1x8x4x128xf32, #tpu.memory_space<vmem>>, vector<1x8x4x128xf32>,
    } else {
    }
    return
  }
  func.func @transform_0(%arg0: i32, %arg1: i32, %arg2: memref<16x128xi32, #tpu.memory_space<smem>>, %arg3: memref<16xi32, #tpu.memory_space<smem>>) -> (i32, i32, i32, i32) {
    %c0_i32 = arith.constant 0 : i32
    %c0_i32_0 = arith.constant 0 : i32
    %c0_i32_1 = arith.constant 0 : i32
    %c0_i32_2 = arith.constant 0 : i32
    return %arg0, %c0_i32, %c0_i32_0, %c0_i32_1 : i32, i32, i32, i32
  }
  func.func @transform_1(%arg0: i32, %arg1: i32, %arg2: memref<16x128xi32, #tpu.memory_space<smem>>, %arg3: memref<16xi32, #tpu.memory_space<smem>>) -> (i32, i32, i32, i32) {
    %mul3A = arith.constant 8 : i32
    %mul3A_0 = arith.muli %arg1, %mul3A : i32
    %add3A = arith.constant 0 : i32
    %add3A_1 = arith.addi %mul3A_0, %add3A : i32
    %get3A = arith.index_cast %arg0 : i32 to index
    %get3A_2 = arith.index_cast %add3A_1 : i32 to index
    %get3A_3 = memref.load %arg2[%get3A, %get3A_2] : memref<16x128xi32, #tpu.memory_space<smem>>
    %c0_i32 = arith.constant 0 : i32
    %c0_i32_4 = arith.constant 0 : i32
    %c0_i32_5 = arith.constant 0 : i32
    %c0_i32_6 = arith.constant 0 : i32
    return %get3A_3, %c0_i32, %c0_i32_4, %c0_i32_5 : i32, i32, i32, i32
  }
  func.func @transform_2(%arg0: i32, %arg1: i32, %arg2: memref<16x128xi32, #tpu.memory_space<smem>>, %arg3: memref<16xi32, #tpu.memory_space<smem>>) -> (i32, i32, i32, i32) {
    %mul3A = arith.constant 8 : i32
    %mul3A_0 = arith.muli %arg1, %mul3A : i32
    %add3A = arith.constant 1 : i32
    %add3A_1 = arith.addi %mul3A_0, %add3A : i32
    %get3A = arith.index_cast %arg0 : i32 to index
    %get3A_2 = arith.index_cast %add3A_1 : i32 to index
    %get3A_3 = memref.load %arg2[%get3A, %get3A_2] : memref<16x128xi32, #tpu.memory_space<smem>>
    %c0_i32 = arith.constant 0 : i32
    %c0_i32_4 = arith.constant 0 : i32
    %c0_i32_5 = arith.constant 0 : i32
    %c0_i32_6 = arith.constant 0 : i32
    return %get3A_3, %c0_i32, %c0_i32_4, %c0_i32_5 : i32, i32, i32, i32
  }
  func.func @transform_3(%arg0: i32, %arg1: i32, %arg2: memref<16x128xi32, #tpu.memory_space<smem>>, %arg3: memref<16xi32, #tpu.memory_space<smem>>) -> (i32, i32, i32, i32) {
    %mul3A = arith.constant 8 : i32
    %mul3A_0 = arith.muli %arg1, %mul3A : i32
    %add3A = arith.constant 2 : i32
    %add3A_1 = arith.addi %mul3A_0, %add3A : i32
    %get3A = arith.index_cast %arg0 : i32 to index
    %get3A_2 = arith.index_cast %add3A_1 : i32 to index
    %get3A_3 = memref.load %arg2[%get3A, %get3A_2] : memref<16x128xi32, #tpu.memory_space<smem>>
    %c0_i32 = arith.constant 0 : i32
    %c0_i32_4 = arith.constant 0 : i32
    %c0_i32_5 = arith.constant 0 : i32
    %c0_i32_6 = arith.constant 0 : i32
    return %get3A_3, %c0_i32, %c0_i32_4, %c0_i32_5 : i32, i32, i32, i32
  }
  func.func @transform_4(%arg0: i32, %arg1: i32, %arg2: memref<16x128xi32, #tpu.memory_space<smem>>, %arg3: memref<16xi32, #tpu.memory_space<smem>>) -> (i32, i32, i32, i32) {
    %mul3A = arith.constant 8 : i32
    %mul3A_0 = arith.muli %arg1, %mul3A : i32
    %add3A = arith.constant 3 : i32
    %add3A_1 = arith.addi %mul3A_0, %add3A : i32
    %get3A = arith.index_cast %arg0 : i32 to index
    %get3A_2 = arith.index_cast %add3A_1 : i32 to index
    %get3A_3 = memref.load %arg2[%get3A, %get3A_2] : memref<16x128xi32, #tpu.memory_space<smem>>
    %c0_i32 = arith.constant 0 : i32
    %c0_i32_4 = arith.constant 0 : i32
    %c0_i32_5 = arith.constant 0 : i32
    %c0_i32_6 = arith.constant 0 : i32
    return %get3A_3, %c0_i32, %c0_i32_4, %c0_i32_5 : i32, i32, i32, i32
  }
  func.func @transform_5(%arg0: i32, %arg1: i32, %arg2: memref<16x128xi32, #tpu.memory_space<smem>>, %arg3: memref<16xi32, #tpu.memory_space<smem>>) -> (i32, i32, i32, i32) {
    %mul3A = arith.constant 8 : i32
    %mul3A_0 = arith.muli %arg1, %mul3A : i32
    %add3A = arith.constant 4 : i32
    %add3A_1 = arith.addi %mul3A_0, %add3A : i32
    %get3A = arith.index_cast %arg0 : i32 to index
    %get3A_2 = arith.index_cast %add3A_1 : i32 to index
    %get3A_3 = memref.load %arg2[%get3A, %get3A_2] : memref<16x128xi32, #tpu.memory_space<smem>>
    %c0_i32 = arith.constant 0 : i32
    %c0_i32_4 = arith.constant 0 : i32
    %c0_i32_5 = arith.constant 0 : i32
    %c0_i32_6 = arith.constant 0 : i32
    return %get3A_3, %c0_i32, %c0_i32_4, %c0_i32_5 : i32, i32, i32, i32
  }
  func.func @transform_6(%arg0: i32, %arg1: i32, %arg2: memref<16x128xi32, #tpu.memory_space<smem>>, %arg3: memref<16xi32, #tpu.memory_space<smem>>) -> (i32, i32, i32, i32) {
    %mul3A = arith.constant 8 : i32
    %mul3A_0 = arith.muli %arg1, %mul3A : i32
    %add3A = arith.constant 5 : i32
    %add3A_1 = arith.addi %mul3A_0, %add3A : i32
    %get3A = arith.index_cast %arg0 : i32 to index
    %get3A_2 = arith.index_cast %add3A_1 : i32 to index
    %get3A_3 = memref.load %arg2[%get3A, %get3A_2] : memref<16x128xi32, #tpu.memory_space<smem>>
    %c0_i32 = arith.constant 0 : i32
    %c0_i32_4 = arith.constant 0 : i32
    %c0_i32_5 = arith.constant 0 : i32
    %c0_i32_6 = arith.constant 0 : i32
    return %get3A_3, %c0_i32, %c0_i32_4, %c0_i32_5 : i32, i32, i32, i32
  }
  func.func @transform_7(%arg0: i32, %arg1: i32, %arg2: memref<16x128xi32, #tpu.memory_space<smem>>, %arg3: memref<16xi32, #tpu.memory_space<smem>>) -> (i32, i32, i32, i32) {
    %mul3A = arith.constant 8 : i32
    %mul3A_0 = arith.muli %arg1, %mul3A : i32
    %add3A = arith.constant 6 : i32
    %add3A_1 = arith.addi %mul3A_0, %add3A : i32
    %get3A = arith.index_cast %arg0 : i32 to index
    %get3A_2 = arith.index_cast %add3A_1 : i32 to index
    %get3A_3 = memref.load %arg2[%get3A, %get3A_2] : memref<16x128xi32, #tpu.memory_space<smem>>
    %c0_i32 = arith.constant 0 : i32
    %c0_i32_4 = arith.constant 0 : i32
    %c0_i32_5 = arith.constant 0 : i32
    %c0_i32_6 = arith.constant 0 : i32
    return %get3A_3, %c0_i32, %c0_i32_4, %c0_i32_5 : i32, i32, i32, i32
  }
  func.func @transform_8(%arg0: i32, %arg1: i32, %arg2: memref<16x128xi32, #tpu.memory_space<smem>>, %arg3: memref<16xi32, #tpu.memory_space<smem>>) -> (i32, i32, i32, i32) {
    %mul3A = arith.constant 8 : i32
    %mul3A_0 = arith.muli %arg1, %mul3A : i32
    %add3A = arith.constant 7 : i32
    %add3A_1 = arith.addi %mul3A_0, %add3A : i32
    %get3A = arith.index_cast %arg0 : i32 to index
    %get3A_2 = arith.index_cast %add3A_1 : i32 to index
    %get3A_3 = memref.load %arg2[%get3A, %get3A_2] : memref<16x128xi32, #tpu.memory_space<smem>>
    %c0_i32 = arith.constant 0 : i32
    %c0_i32_4 = arith.constant 0 : i32
    %c0_i32_5 = arith.constant 0 : i32
    %c0_i32_6 = arith.constant 0 : i32
    return %get3A_3, %c0_i32, %c0_i32_4, %c0_i32_5 : i32, i32, i32, i32
  }
  func.func @transform_9(%arg0: i32, %arg1: i32, %arg2: memref<16x128xi32, #tpu.memory_space<smem>>, %arg3: memref<16xi32, #tpu.memory_space<smem>>) -> (i32, i32, i32, i32) {
    %mul3A = arith.constant 8 : i32
    %mul3A_0 = arith.muli %arg1, %mul3A : i32
    %add3A = arith.constant 0 : i32
    %add3A_1 = arith.addi %mul3A_0, %add3A : i32
    %get3A = arith.index_cast %arg0 : i32 to index
    %get3A_2 = arith.index_cast %add3A_1 : i32 to index
    %get3A_3 = memref.load %arg2[%get3A, %get3A_2] : memref<16x128xi32, #tpu.memory_space<smem>>
    %c0_i32 = arith.constant 0 : i32
    %c0_i32_4 = arith.constant 0 : i32
    %c0_i32_5 = arith.constant 0 : i32
    %c0_i32_6 = arith.constant 0 : i32
    return %get3A_3, %c0_i32, %c0_i32_4, %c0_i32_5 : i32, i32, i32, i32
  }
  func.func @transform_10(%arg0: i32, %arg1: i32, %arg2: memref<16x128xi32, #tpu.memory_space<smem>>, %arg3: memref<16xi32, #tpu.memory_space<smem>>) -> (i32, i32, i32, i32) {
    %mul3A = arith.constant 8 : i32
    %mul3A_0 = arith.muli %arg1, %mul3A : i32
    %add3A = arith.constant 1 : i32
    %add3A_1 = arith.addi %mul3A_0, %add3A : i32
    %get3A = arith.index_cast %arg0 : i32 to index
    %get3A_2 = arith.index_cast %add3A_1 : i32 to index
    %get3A_3 = memref.load %arg2[%get3A, %get3A_2] : memref<16x128xi32, #tpu.memory_space<smem>>
    %c0_i32 = arith.constant 0 : i32
    %c0_i32_4 = arith.constant 0 : i32
    %c0_i32_5 = arith.constant 0 : i32
    %c0_i32_6 = arith.constant 0 : i32
    return %get3A_3, %c0_i32, %c0_i32_4, %c0_i32_5 : i32, i32, i32, i32
  }
  func.func @transform_11(%arg0: i32, %arg1: i32, %arg2: memref<16x128xi32, #tpu.memory_space<smem>>, %arg3: memref<16xi32, #tpu.memory_space<smem>>) -> (i32, i32, i32, i32) {
    %mul3A = arith.constant 8 : i32
    %mul3A_0 = arith.muli %arg1, %mul3A : i32
    %add3A = arith.constant 2 : i32
    %add3A_1 = arith.addi %mul3A_0, %add3A : i32
    %get3A = arith.index_cast %arg0 : i32 to index
    %get3A_2 = arith.index_cast %add3A_1 : i32 to index
    %get3A_3 = memref.load %arg2[%get3A, %get3A_2] : memref<16x128xi32, #tpu.memory_space<smem>>
    %c0_i32 = arith.constant 0 : i32
    %c0_i32_4 = arith.constant 0 : i32
    %c0_i32_5 = arith.constant 0 : i32
    %c0_i32_6 = arith.constant 0 : i32
    return %get3A_3, %c0_i32, %c0_i32_4, %c0_i32_5 : i32, i32, i32, i32
  }
  func.func @transform_12(%arg0: i32, %arg1: i32, %arg2: memref<16x128xi32, #tpu.memory_space<smem>>, %arg3: memref<16xi32, #tpu.memory_space<smem>>) -> (i32, i32, i32, i32) {
    %mul3A = arith.constant 8 : i32
    %mul3A_0 = arith.muli %arg1, %mul3A : i32
    %add3A = arith.constant 3 : i32
    %add3A_1 = arith.addi %mul3A_0, %add3A : i32
    %get3A = arith.index_cast %arg0 : i32 to index
    %get3A_2 = arith.index_cast %add3A_1 : i32 to index
    %get3A_3 = memref.load %arg2[%get3A, %get3A_2] : memref<16x128xi32, #tpu.memory_space<smem>>
    %c0_i32 = arith.constant 0 : i32
    %c0_i32_4 = arith.constant 0 : i32
    %c0_i32_5 = arith.constant 0 : i32
    %c0_i32_6 = arith.constant 0 : i32
    return %get3A_3, %c0_i32, %c0_i32_4, %c0_i32_5 : i32, i32, i32, i32
  }
  func.func @transform_13(%arg0: i32, %arg1: i32, %arg2: memref<16x128xi32, #tpu.memory_space<smem>>, %arg3: memref<16xi32, #tpu.memory_space<smem>>) -> (i32, i32, i32, i32) {
    %mul3A = arith.constant 8 : i32
    %mul3A_0 = arith.muli %arg1, %mul3A : i32
    %add3A = arith.constant 4 : i32
    %add3A_1 = arith.addi %mul3A_0, %add3A : i32
    %get3A = arith.index_cast %arg0 : i32 to index
    %get3A_2 = arith.index_cast %add3A_1 : i32 to index
    %get3A_3 = memref.load %arg2[%get3A, %get3A_2] : memref<16x128xi32, #tpu.memory_space<smem>>
    %c0_i32 = arith.constant 0 : i32
    %c0_i32_4 = arith.constant 0 : i32
    %c0_i32_5 = arith.constant 0 : i32
    %c0_i32_6 = arith.constant 0 : i32
    return %get3A_3, %c0_i32, %c0_i32_4, %c0_i32_5 : i32, i32, i32, i32
  }
  func.func @transform_14(%arg0: i32, %arg1: i32, %arg2: memref<16x128xi32, #tpu.memory_space<smem>>, %arg3: memref<16xi32, #tpu.memory_space<smem>>) -> (i32, i32, i32, i32) {
    %mul3A = arith.constant 8 : i32
    %mul3A_0 = arith.muli %arg1, %mul3A : i32
    %add3A = arith.constant 5 : i32
    %add3A_1 = arith.addi %mul3A_0, %add3A : i32
    %get3A = arith.index_cast %arg0 : i32 to index
    %get3A_2 = arith.index_cast %add3A_1 : i32 to index
    %get3A_3 = memref.load %arg2[%get3A, %get3A_2] : memref<16x128xi32, #tpu.memory_space<smem>>
    %c0_i32 = arith.constant 0 : i32
    %c0_i32_4 = arith.constant 0 : i32
    %c0_i32_5 = arith.constant 0 : i32
    %c0_i32_6 = arith.constant 0 : i32
    return %get3A_3, %c0_i32, %c0_i32_4, %c0_i32_5 : i32, i32, i32, i32
  }
  func.func @transform_15(%arg0: i32, %arg1: i32, %arg2: memref<16x128xi32, #tpu.memory_space<smem>>, %arg3: memref<16xi32, #tpu.memory_space<smem>>) -> (i32, i32, i32, i32) {
    %mul3A = arith.constant 8 : i32
    %mul3A_0 = arith.muli %arg1, %mul3A : i32
    %add3A = arith.constant 6 : i32
    %add3A_1 = arith.addi %mul3A_0, %add3A : i32
    %get3A = arith.index_cast %arg0 : i32 to index
    %get3A_2 = arith.index_cast %add3A_1 : i32 to index
    %get3A_3 = memref.load %arg2[%get3A, %get3A_2] : memref<16x128xi32, #tpu.memory_space<smem>>
    %c0_i32 = arith.constant 0 : i32
    %c0_i32_4 = arith.constant 0 : i32
    %c0_i32_5 = arith.constant 0 : i32
    %c0_i32_6 = arith.constant 0 : i32
    return %get3A_3, %c0_i32, %c0_i32_4, %c0_i32_5 : i32, i32, i32, i32
  }
  func.func @transform_16(%arg0: i32, %arg1: i32, %arg2: memref<16x128xi32, #tpu.memory_space<smem>>, %arg3: memref<16xi32, #tpu.memory_space<smem>>) -> (i32, i32, i32, i32) {
    %mul3A = arith.constant 8 : i32
    %mul3A_0 = arith.muli %arg1, %mul3A : i32
    %add3A = arith.constant 7 : i32
    %add3A_1 = arith.addi %mul3A_0, %add3A : i32
    %get3A = arith.index_cast %arg0 : i32 to index
    %get3A_2 = arith.index_cast %add3A_1 : i32 to index
    %get3A_3 = memref.load %arg2[%get3A, %get3A_2] : memref<16x128xi32, #tpu.memory_space<smem>>
    %c0_i32 = arith.constant 0 : i32
    %c0_i32_4 = arith.constant 0 : i32
    %c0_i32_5 = arith.constant 0 : i32
    %c0_i32_6 = arith.constant 0 : i32
    return %get3A_3, %c0_i32, %c0_i32_4, %c0_i32_5 : i32, i32, i32, i32
  }
  func.func @transform_17(%arg0: i32, %arg1: i32, %arg2: memref<16x128xi32, #tpu.memory_space<smem>>, %arg3: memref<16xi32, #tpu.memory_space<smem>>) -> (i32, i32) {
    %c0_i32 = arith.constant 0 : i32
    %c0_i32_0 = arith.constant 0 : i32
    %c0_i32_1 = arith.constant 0 : i32
    return %c0_i32, %c0_i32_0 : i32, i32
  }
  func.func @transform_18(%arg0: i32, %arg1: i32, %arg2: memref<16x128xi32, #tpu.memory_space<smem>>, %arg3: memref<16xi32, #tpu.memory_space<smem>>) -> (i32, i32) {
    %c0_i32 = arith.constant 0 : i32
    %c0_i32_0 = arith.constant 0 : i32
    %c0_i32_1 = arith.constant 0 : i32
    return %c0_i32, %c0_i32_0 : i32, i32
  }
  func.func @transform_19(%arg0: i32, %arg1: i32, %arg2: memref<16x128xi32, #tpu.memory_space<smem>>, %arg3: memref<16xi32, #tpu.memory_space<smem>>) -> (i32, i32) {
    %c0_i32 = arith.constant 0 : i32
    %c0_i32_0 = arith.constant 0 : i32
    %c0_i32_1 = arith.constant 0 : i32
    return %c0_i32, %c0_i32_0 : i32, i32
  }
  func.func @transform_20(%arg0: i32, %arg1: i32, %arg2: memref<16x128xi32, #tpu.memory_space<smem>>, %arg3: memref<16xi32, #tpu.memory_space<smem>>) -> (i32, i32, i32) {
    %c0_i32 = arith.constant 0 : i32
    %c0_i32_0 = arith.constant 0 : i32
    %c0_i32_1 = arith.constant 0 : i32
    %c0_i32_2 = arith.constant 0 : i32
    return %c0_i32, %c0_i32_0, %c0_i32_1 : i32, i32, i32
  }
  func.func @transform_21(%arg0: i32, %arg1: i32, %arg2: memref<16x128xi32, #tpu.memory_space<smem>>, %arg3: memref<16xi32, #tpu.memory_space<smem>>) -> (i32, i32, i32, i32) {
    %c0_i32 = arith.constant 0 : i32
    %c0_i32_0 = arith.constant 0 : i32
    %c0_i32_1 = arith.constant 0 : i32
    %c0_i32_2 = arith.constant 0 : i32
    return %arg0, %c0_i32, %c0_i32_0, %c0_i32_1 : i32, i32, i32, i32
  }
}

</mosaic_0001>

<sc_bundles>
// kernel: gather_offload_async_start
scs
__scs_entry_jumppad:
0x0: {  	(pc) =	sbr.rel $0x88, $3  }
0x1: {  	(tag) =	ssettag $0x0;
	lr =	simm.s32 $0x1  }
0x2: {  	[smem:$0x3F9B] =	sst lr;
	_ =	strace $0xD0000000  }
0x3: {  	_ = 	snop  }
0x4: {  	_ = 	snop  }
0x5: {  	_ = 	snop  }
0x6: {  	_ = 	snop  }
0x7: {  	_ = 	snop  }
__scs_overlays_trampoline_lowered:
0x8: {  	[smem:$0x3FAA] =	sst s0  }
0x9: {  	[smem:$0x3FAB] =	sst s1  }
0xa: {  	[smem:$0x3FAC] =	sst s2  }
0xb: {  	[smem:$0x3FAD] =	sst s3  }
0xc: {  	[smem:$0x3FAE] =	sst s4  }
0xd: {  	[smem:$0x3FAF] =	sst s5  }
0xe: {  	[smem:$0x3FB0] =	sst s6  }
0xf: {  	[smem:$0x3FB1] =	sst s7  }
0x10: {  	[smem:$0x3FB2] =	sst s8  }
0x11: {  	[smem:$0x3FB3] =	sst s9;
	s0 =	simm.s32 @!p0 $0x0  }
0x12: {  	s1 =	sld [smem:$0x3F99];
	s0 =	simm.s32 @p0 $0x1  }
0x13: {  	[smem:$0x3FB4] =	sst s0;
	s0 =	simm.s32 @!p1 $0x0  }
0x14: {  	s2 =	sld [smem:$0x3F98];
	s0 =	simm.s32 @p1 $0x1  }
0x15: {  	[smem:$0x3FB5] =	sst s0;
	s0 =	simm.s32 @!p2 $0x0  }
0x16: {  	s3 =	sld [smem:$0x3FDB];
	s0 =	simm.s32 @p2 $0x1  }
0x17: {  	s4 =	simm.s32 $0x1BF5;
	[smem:$0x3FB7] =	sst s0  }
0x18: {  	s0 =	sld [smem:$0x3F9A];
	_ =	swait.ge [sflag:s4], $0x0  }
0x19: {  	s7 =	sld [smem:$0x3F9B]  }
0x1a: {  	s8 =	sadd.s32 $0xFFFFE003, lr  }
0x1b: {  	s9 =	sadd.s32 $0xFFFFFEF7, lr;
	s5 =	simm.s32 $0xFFFFFFFF;
	p2 =	slt.u32 s8, $0xFFFFF086  }
0x1c: {  	p1 =	slt.u32 s9, $0xF7A;
	s5 =	simm.s32 @!p2 $0x0  }
0x1d: {  	s5 =	simm.s32 @p1 $0x1;
	p0 =	seq.s32 s7, s2  }
0x1e: {  	s7 =	smul.u32 @!p0 $0xF7A, s2;
	p2 =	seq.s32 @!p0 s5, $0x0  }
0x1f: {  	s9 =	smul.u32 $0xF7A, s1;
	s8 =	simm.s32 @!p0 $0x1BF5;
	p2 =	por !p2, p0  }
0x20: {  	[sflag:s8] =	ssyncset.s32 @!p0 $0xFFFFF086;
	s6 =	sadd.s32 @!p0 s3, s7;
	s7 =	simm.s32 @!p0 $0x108  }
0x21: {  	s3 =	sadd.s32 s3, s9;
	s6 =	sadd.s32 @!p0 $0x88, s6;
	s7 =	simm.s32 @p2 $0x1082  }
0x22: {  	[simem:s7], [sflag:s8] =	dma.local @!p0 [hbm:s6], $0xF7A  }
0x23: {  	s9 =	sor.u32 $0xD0000000, s2;
	s6 =	simm.s32 $0x108;
	_ =	swait.ge @!p0 [sflag:s8], $0x0  }
0x24: {  	s3 =	sadd.s32 $0x88, s3;
	s6 =	simm.s32 @!p1 $0x1082;
	[sflag:s4] =	ssyncset.s32 $0xFFFFF086  }
0x25: {  	[simem:s6], [sflag:s4] =	dma.local [hbm:s3], $0xF7A  }
0x26: {  	[smem:$0x3F9B] =	sst s1;
	(tag) =	ssettag s2;
	_ =	strace s9  }
0x27: {  	s1 =	sld [smem:$0x3FAB]  }
0x28: {  	s2 =	sld [smem:$0x3FAC]  }
0x29: {  	s4 =	sld [smem:$0x3FAE]  }
0x2a: {  	p0 =	seq.s32 s5, $0x0;
	s5 =	sld [smem:$0x3FAF]  }
0x2b: {  	s6 =	sld [smem:$0x3FB0]  }
0x2c: {  	s7 =	sld [smem:$0x3FB1]  }
0x2d: {  	s3 =	simm.s32 $0x108;
	s8 =	sld [smem:$0x3FB2]  }
0x2e: {  	s3 =	simm.s32 @!p0 $0x1082;
	s9 =	sld [smem:$0x3FB3]  }
0x2f: {  	lr =	sadd.s32 s0, s3;
	s0 =	sld [smem:$0x3FAA]  }
0x30: {  	s3 =	sld [smem:$0x3FAD]  }
0x31: {  	[smem:$0x3FB6] =	sst s10  }
0x32: {  	s10 =	sld [smem:$0x3FB4];
	_ =	sdelay $0x3  }
0x33: {  	p0 =	seq.s32 s10, $0x1;
	s10 =	sld [smem:$0x3FB6];
	_ =	sdelay $0x3  }
0x34: {  	[smem:$0x3FB6] =	sst s10  }
0x35: {  	s10 =	sld [smem:$0x3FB5];
	_ =	sdelay $0x3  }
0x36: {  	p1 =	seq.s32 s10, $0x1;
	s10 =	sld [smem:$0x3FB6];
	_ =	sdelay $0x3  }
0x37: {  	[smem:$0x3FB6] =	sst s10  }
0x38: {  	s10 =	sld [smem:$0x3FB7]  }
0x39: {  	_ = 	snop;
	(pc) =	sbr.ind lr, $3  }
0x3a: {  	_ = 	snop  }
0x3b: {  	_ = 	snop  }
0x3c: {  	p2 =	seq.s32 s10, $0x1;
	s10 =	sld [smem:$0x3FB6]  }
0x3d: {  	_ =	shalt  }
0x3e: {  	_ =	shalt  }
0x3f: {  	_ =	shalt  }
0x40: {  	_ =	shalt  }
0x41: {  	_ =	shalt  }
0x42: {  	_ =	shalt  }
0x43: {  	_ =	shalt  }
0x44: {  	_ =	shalt  }
0x45: {  	_ =	shalt  }
0x46: {  	_ =	shalt  }
0x47: {  	_ =	shalt  }
0x48: {  	_ =	shalt  }
0x49: {  	_ =	shalt  }
0x4a: {  	_ =	shalt  }
0x4b: {  	_ =	shalt  }
0x4c: {  	_ =	shalt  }
0x4d: {  	_ =	shalt  }
0x4e: {  	_ =	shalt  }
0x4f: {  	_ =	shalt  }
0x50: {  	_ =	shalt  }
0x51: {  	_ =	shalt  }
0x52: {  	_ =	shalt  }
0x53: {  	_ =	shalt  }
0x54: {  	_ =	shalt  }
0x55: {  	_ =	shalt  }
0x56: {  	_ =	shalt  }
0x57: {  	_ =	shalt  }
0x58: {  	_ =	shalt  }
0x59: {  	_ =	shalt  }
0x5a: {  	_ =	shalt  }
0x5b: {  	_ =	shalt  }
0x5c: {  	_ =	shalt  }
0x5d: {  	_ =	shalt  }
0x5e: {  	_ =	shalt  }
0x5f: {  	_ =	shalt  }
0x60: {  	_ =	shalt  }
0x61: {  	_ =	shalt  }
0x62: {  	_ =	shalt  }
0x63: {  	_ =	shalt  }
0x64: {  	_ =	shalt  }
0x65: {  	_ =	shalt  }
0x66: {  	_ =	shalt  }
0x67: {  	_ =	shalt  }
0x68: {  	_ =	shalt  }
0x69: {  	_ =	shalt  }
0x6a: {  	_ =	shalt  }
0x6b: {  	_ =	shalt  }
0x6c: {  	_ =	shalt  }
0x6d: {  	_ =	shalt  }
0x6e: {  	_ =	shalt  }
0x6f: {  	_ =	shalt  }
0x70: {  	_ =	shalt  }
0x71: {  	_ =	shalt  }
0x72: {  	_ =	shalt  }
0x73: {  	_ =	shalt  }
0x74: {  	_ =	shalt  }
0x75: {  	_ =	shalt  }
0x76: {  	_ =	shalt  }
0x77: {  	_ =	shalt  }
0x78: {  	_ =	shalt  }
0x79: {  	_ =	shalt  }
0x7a: {  	_ =	shalt  }
0x7b: {  	_ =	shalt  }
0x7c: {  	_ =	shalt  }
0x7d: {  	_ =	shalt  }
0x7e: {  	_ =	shalt  }
0x7f: {  	_ =	shalt  }
0x80: {  	_ =	shalt  }
0x81: {  	_ =	shalt  }
0x82: {  	_ =	shalt  }
0x83: {  	_ =	shalt  }
0x84: {  	_ =	shalt  }
0x85: {  	_ =	shalt  }
0x86: {  	_ =	shalt  }
0x87: {  	_ =	shalt  }
.Lfunc_end0:
.L_simem_size_0:
called_computation_lowered:
.L_overlay_start_0:
0x88: {  	s2 =	sld [smem:$0x3FD9]  }
0x89: {  	s3 =	sld [smem:$0x3FFE];
	_ =	sdelay $0x1  }
0x8a: {  	s1 =	srdreg.scid  }
0x8b: {  	s0 =	sand.u32 $0x1, s1  }
0x8c: {  	s17 =	sshll.u32 s0, $0xA;
	s2 =	sadd.s32 s3, s2  }
0x8d: {  	s2 =	sadd.s32 s2, s17  }
0x8e: {  	[smem:$0x3FC2] =	sst s2  }
0x8f: {  	_ = 	snop  }
0x90: {  	s2 =	sld [smem:$0x3FC6]  }
0x91: {  	s18 =	sld [smem:$0x3FD0];
	(tm) =	ssettm $0x1  }
0x92: {  	s4 =	sld [smem:$0x3FFB];
	_ =	sdelay $0x3  }
0x93: {  	_ =	strace s4  }
0x94: {  	s4 =	sld [smem:$0x3FFC];
	_ =	sdelay $0x3  }
0x95: {  	_ =	strace s4  }
0x96: {  	s4 =	sld [smem:$0x3FFD];
	_ =	sdelay $0x3  }
0x97: {  	_ =	strace s4  }
0x98: {  	_ =	strace $0x8FFFFFFF  }
0x99: {  	s19 =	sld [smem:$0x3FDB];
	_ =	sdelay $0x1  }
0x9a: {  	s5 =	simm.s32 $_scs_section_size  }
0x9b: {  	s6 =	simm.s32 $_size__tile_overlayer_lowered;
	s7 =	simm.s32 $_tile_overlayer_lowered  }
0x9c: {  	s22 =	simm.s32 $0x1BFF;
	s21 =	sshll.u32 s7, $0x1;
	s4 =	sadd.s32 s5, s19  }
0x9d: {  	s8 =	simm.s32 $0x0;
	s20 =	sshll.u32 s6, $0x1;
	s6 =	sadd.s32 s21, s4  }
0x9e: {  	[timem:s8], [sflag:s22] =	dma.local [hbm:s6], s20  }
0x9f: {  	_ =	swait.ge [sflag:s22], s20  }
0xa0: {  	s5 =	ssub.s32 $0x0, s20;
	[sflag:s22] =	ssyncset.done $0x0  }
0xa1: {  	[sflag:s22] =	ssyncadd.s32 s5;
	_ =	sdelay $0x1  }
0xa2: {  	s23 =	simm.s32 $0x1B8B  }
0xa3: {  	_ =	swait.ge [sflag:s23], $0x1  }
0xa4: {  	[sflag:s23] =	ssyncset.done $0x0  }
0xa5: {  	s25 =	simm.s32 $0x1B8E;
	s24 =	sld [smem:$0x3FFE];
	[sflag:s23] =	ssyncadd.s32 $0xFFFFFFFF  }
0xa6: {  	s26 =	simm.s32 $execute0_lowered;
	[smem:$0x3FD2] =	sst s25  }
0xa7: {  	s6 =	sshll.u32 s26, $0x1;
	_ =	strace $0x80000046;
	[dreg:$0x1] =	wrdreg $0xFFFFFFFF  }
0xa8: {  	s28 =	simm.s32 $_size_execute0_lowered;
	s4 =	sadd.s32 s4, s6;
	[dreg:$0x0] =	wrdreg $0x0  }
0xa9: {  	s6 =	sshll.u32 s28, $0x1;
	[dreg:$0x2] =	wrdreg s4  }
0xaa: {  	[dreg:$0x3] =	wrdreg s6  }
0xab: {  	[dreg:$0x4] =	wrdreg $0xC0  }
0xac: {  	_ =	task [dreg:s8], $0x5FFFF  }
0xad: {  	[dreg:$0x1] =	wrdreg $0xFFFFFFFF  }
0xae: {  	[dreg:$0x0] =	wrdreg $0x60  }
0xaf: {  	[dreg:$0x2] =	wrdreg s2  }
0xb0: {  	[dreg:$0x3] =	wrdreg s18  }
0xb1: {  	[dreg:$0x4] =	wrdreg s24  }
0xb2: {  	[dreg:$0x5] =	wrdreg $0x9  }
0xb3: {  	_ =	task.clear_ibuf [dreg:s8], $0x6FFFF;
	_ =	strace $0x90000046  }
0xb4: {  	s29 =	simm.s32 $0x9;
	_ =	strace $0x80000048  }
0xb5: {  	_ =	swait.ge [sflag:s29], $0x1  }
0xb6: {  	[sflag:s29] =	ssyncadd.s32 $0xFFFFFFFF  }
0xb7: {  	_ =	strace $0x90000048  }
0xb8: {  	_ =	sfence  }
0xb9: {  	s30 =	sld [smem:$0x0];
	_ =	sdelay $0x2  }
0xba: {  	s31 =	sshll.u32 s1, $0xD;
	s1 =	sshrl.u32 s1, $0x2  }
0xbb: {  	s3 =	sand.u32 $0x4000, s31;
	s1 =	sadd.s32 s1, s30  }
0xbc: {  	s0 =	sor.u32 s3, s0;
	s1 =	sshll.u32 s1, $0x11  }
0xbd: {  	s0 =	sor.u32 s1, s0  }
0xbe: {  	s0 =	sadd.s32 $0x8F2B, s0  }
0xbf: {  	[sflag:s0] =	ssyncadd.remote.s32 $0x1  }
0xc0: {  	_ =	sfence.sel $0xFFFF  }
0xc1: {  	[dreg:$0x0] =	wrdreg $0xFFFFFFFF;
	(pc) =	sbr.abs _section_cstart, $3  }
0xc2: {  	[dreg:$0x1] =	wrdreg $0xFFFFFFFF  }
0xc3: {  	_ =	task.clear_ibuf [dreg:s8], $0x2FFFF;
	_ =	strace $0x9FFFFFFF  }
0xc4: {  	(tm) =	ssettm $0x7FFFFFFF  }
0xc5: {  	_ =	shalt  }
tec
execute0_lowered:
.L_overlay_start_1:
0x0: {  	(tag) =	ssettag $0x1  }
0x1: {  	s1 =	srdreg.scid;
	s2 =	rddreg [dreg:$0x0]  }
0x2: {  	s0 =	stileid.u32;
	s3 =	rddreg [dreg:$0x1]  }
0x3: {  	s8 =	rddreg [dreg:$0x2];
	s5 =	simm.s32 $0x1;
	s1 =	sshll.u32 s1, $0x5  }
0x4: {  	s9 =	simm.s32 $0x1;
	s4 =	sshll.u32 s0, $0x6;
	s1 =	sand.u32 $0x20, s1  }
0x5: {  	s10 =	simm.s32 $0x3;
	s13 =	simm.s32 $0x0;
	s4 =	sor.u32 s4, s1  }
0x6: {  	s12 =	simm.s32 $0x0;
	s1 =	rddreg [dreg:$0x3];
	s7 =	ssub.s32 $0x800, s4  }
.Ltmp0:
0x7: {  	_ =	strace $0x80000047;
	s6 =	sand.u32 $0x3E0, s7;
	(pc) =	sbr.rel .LBB2_1-.Ltmp0, $4  }
0x8: {  	s8 =	sadd.s32 $0x2416000, s8;
	[sflag:s5] =	ssyncpa.u1 $0x0;
	p0 =	sne.s32 s6, $0x0  }
0x9: {  	s7 =	sshrl.u32 s7, $0xA;
	s6 =	simm.s32 $0x2;
	s9 =	simm.s32 @!p0 $0x0  }
0xa: {  	s11 =	smov.u32 s4;
	[sflag:s6] =	ssyncpa.u1 $0x0;
	s7 =	sadd.s32 s9, s7  }
0xb: {  	vm0 =	vmmov $0xffff;
	[sflag:s10] =	ssyncpa.u1 $0x0;
	s10 =	simm.s32 $0x0;
	s9 =	sadd.s32 $0x1, s7  }
.LBB2_5:
0xc: {  	s15 =	sadd.s32 $0x400, s11  }
0xd: {  	p1 =	sgt.s32 s15, $0x7FF  }
0xe: {  	s15 =	smov.u32 @p1 s4;
	p1 =	sne.s32 s12, s9  }
.Ltmp1:
0xf: {  	p0 =	slt.u32 s12, $0x2;
	(pc) =	sbr.rel @!p1 .LBB2_6-.Ltmp1, $4  }
0x10: {  	s14 =	simm.s32 @!p0 $0x3  }
0x11: {  	_ =	swait.ge @!p0 [sflag:s14], $0x20  }
0x12: {  	s16 =	sadd.s32 $0x1, s12;
	s13 =	smov.u32 s11;
	[sflag:s14] =	ssyncset.done @!p0 $0x0  }
0x13: {  	s12 =	smov.u32 s16;
	s11 =	smov.u32 s15;
	[sflag:s14] =	ssyncadd.s32 @!p0 $0xFFFFFFE0  }
.LBB2_1:
0x14: {  	p0 =	sge.u32 s12, s7  }
0x15: {  	s14 =	sxor.u32 @!p0 $0xFFFFFFFF, s12  }
0x16: {  	s31 =	sadd.s32 $0xFFFFFFFF, s12;
	s15 =	sshrl.u32 @!p0 s11, $0x3;
	s14 =	sshll.u32 @!p0 s14, $0x5  }
0x17: {  	s16 =	sand.u32 @!p0 $0x7, s11;
	s15 =	sadd.s32 @!p0 s3, s15;
	s14 =	sand.u32 @!p0 $0x20, s14  }
0x18: {  	[tilespmem:s14], [sflag:$0x2] =	stream.linear.gather @!p0 [hbm4b:s15+s16], $0x20, $0x38;
	[tilespmem:$0x80] =	vst v63  }
0x19: {  	p0 =	sge.u32 s31, s7  }
.Ltmp2:
0x1a: {  	_ = 	snop;
	(pc) =	sbr.rel @p0 .LBB2_5-.Ltmp2, $1  }
0x1b: {  	_ =	sdelay $0x3  }
0x1c: {  	_ =	swait.ge [sflag:s6], $0x20;
	s14 =	sshll.u32 s12, $0x5;
	s16 =	simm.s32 $0x0  }
0x1d: {  	p0 =	por $0x1, $0x1;
	[sflag:s6] =	ssyncset.done $0x0;
	s15 =	sand.u32 $0x20, s14  }
0x1e: {  	[sflag:s6] =	ssyncadd.s32 $0xFFFFFFE0;
	(ifvalue) =	ssetifvalue $0x7FFFFFFF;
	s14 =	sor.u32 $0x40, s15  }
.LBB2_3:
0x1f: {  	s17 =	sadd.s32 s16, s15  }
0x20: {  	v0 =	vld.msk [tilespmem:s17+$0x0 ss:$0x1], $0xffff;
	_ =	sdelay $0x4  }
0x21: {  	v1 =	vshrl.u32 v0, $0x4;
	v2 =	vshll.u32 v0, $0x7  }
0x22: {  	vm1 =	veq.s32 v0, $0x80000000;
	v61 =	vand.u32 $0x7F, v1;
	v62 =	vand.u32 $0x780, v2  }
0x23: {  	v0 =	vsel vm1, $0xFFFFFFFF, v61;
	v1 =	vsel vm1, $0xFFFFFF80, v62  }
0x24: {  	v63 =	vand.u32 $0xFFFFFC00, v1;
	v3 =	vand.u32 $0xFFFFFC00, v0  }
0x25: {  	v1 =	vand.u32 $0x380, v1;
	v2 =	vadd.s32 v3, v63  }
0x26: {  	v0 =	vand.u32 $0x7F, v0;
	v1 =	vor.u32 v1, v2  }
0x27: {  	p1 =	por p0, p0;
	v0 =	vor.u32 v0, v1  }
.Ltmp3:
0x28: {  	_ = 	snop;
	(pc) =	sbr.rel @p1 .LBB2_3-.Ltmp3, $4  }
0x29: {  	_ = 	snop  }
0x2a: {  	s31 =	sadd.s32 s16, s14  }
0x2b: {  	s16 =	simm.s32 $0x10;
	p0 =	por $0x0, $0x0;
	(ifvalue) =	ssetifvalue $0x7FFFFFFF  }
0x2c: {  	[tilespmem:s31], [sflag:$0x1] =	stream.indirect_vreg.gather [hbm4b:s2+s10], $0x1, v0, vm0, $0x4038;
	[tilespmem:$0x80] =	vst v63  }
.Ltmp4:
0x2d: {  	(pc) =	sbr.rel .LBB2_5-.Ltmp4, $4  }
0x2e: {  	_ =	swait.ge [sflag:s5], $0x20  }
0x2f: {  	s15 =	sshrl.u32 s13, $0x3;
	[sflag:s5] =	ssyncset.done $0x0  }
0x30: {  	s31 =	sand.u32 $0x7, s13;
	s15 =	sadd.s32 s8, s15;
	[sflag:s5] =	ssyncadd.s32 $0xFFFFFFE0  }
0x31: {  	[hbm4b:s15+s31] =	stream.linear.scatter [tilespmem:s14], [sflag:$0x3], $0x20, $0x38;
	[tilespmem:$0x80] =	vst v63  }
.LBB2_6:
0x32: {  	_ =	sfence.sel $0x180000  }
0x33: {  	s2 =	simm.s32 $0x2;
	[bflag:$0x0] =	sbarrier.arrive $0xFFFF  }
0x34: {  	s30 =	simm.s32 $0x3;
	[sflag:s2] =	ssyncpa.u1 $0x1  }
0x35: {  	s31 =	simm.s32 $0x1;
	[sflag:s30] =	ssyncpa.u1 $0x1  }
0x36: {  	[sflag:s31] =	ssyncpa.u1 $0x1  }
0x37: {  	p0 =	sne.s32 s0, $0x0;
	_ =	strace $0x90000047  }
0x38: {  	s0 =	sadd.s32 @!p0 $0x100000, s1;
	[bflag:$0x2] =	sbarrier.arrive $0xFFFF  }
0x39: {  	[sflag:s0] =	ssyncadd.tile.s32 @!p0 $0x1;
	_ =	shalt  }
.Lfunc_end2:
_tile_overlayer_lowered:
.L_overlay_start_2:
0x3a: {  	(tag) =	ssettag $0x2  }
0x3b: {  	s0 =	rddreg [dreg:$0x0];
	s2 =	stileid.u32  }
0x3c: {  	s1 =	rddreg [dreg:$0x1];
	p0 =	sne.s32 s2, $0x0  }
0x3d: {  	s3 =	rddreg [dreg:$0x2];
	[bflag:$0x3] =	sbarrier.arrive $0xFFFF;
	s2 =	simm.s32 @!p0 $0x1C01  }
0x3e: {  	[timem:s3], [sflag:s2] =	dma.local @!p0 [hbm:s0], s1  }
0x3f: {  	s0 =	simm.s32 @!p0 $0x1  }
0x40: {  	_ =	swait.ge @!p0 [sflag:s0], s1  }
0x41: {  	s1 =	ssub.s32 @!p0 $0x0, s1;
	[sflag:s0] =	ssyncset.done @!p0 $0x0  }
0x42: {  	[sflag:s0] =	ssyncadd.s32 @!p0 s1  }
0x43: {  	[bflag:$0x3] =	sbarrier.arrive $0xFFFF  }
0x44: {  	_ =	shalt  }

</sc_bundles>
